<compile_context>
chip_gen: v7x
topology: tpu7x:2x2x1
jax: 0.10.2.dev20260603
libtpu: 0.0.44.dev20260713+nightly
codegen_flags: <defaults>
</compile_context>

<pallas_src>
import functools

import jax
import jax.numpy as jnp
from jax import lax
from jax.experimental import pallas as pl
from jax.experimental.pallas import tpu as pltpu
from jax.experimental.pallas import tpu_sc as plsc

_NC = 2
_NS = 16
_NW = _NC * _NS


def _prep_body(x_ref, seg_ref, tok_ref, segw_ref, pos_ref, gam_ref, bet_ref,
               table_ref, idx_ref):
    nv, d = tok_ref.shape
    ns = segw_ref.shape[0]
    npos = pos_ref.shape[0]
    n = nv * ns * npos

    row = lax.broadcasted_iota(jnp.int32, (n, 1), 0)
    ohv = (row // (ns * npos) == lax.broadcasted_iota(jnp.int32, (n, nv), 1))
    ohs = ((row // npos) % ns == lax.broadcasted_iota(jnp.int32, (n, ns), 1))
    ohp = (row % npos == lax.broadcasted_iota(jnp.int32, (n, npos), 1))

    dot = functools.partial(jnp.dot, preferred_element_type=jnp.float32,
                            precision=lax.Precision.HIGHEST)
    emb = (dot(ohv.astype(jnp.float32), tok_ref[...])
           + dot(ohs.astype(jnp.float32), segw_ref[...])
           + dot(ohp.astype(jnp.float32), pos_ref[...]))

    mu = jnp.mean(emb, axis=-1, keepdims=True)
    var = jnp.mean((emb - mu) ** 2, axis=-1, keepdims=True)
    table_ref[...] = ((emb - mu) * lax.rsqrt(var + 1e-5) * gam_ref[...]
                      + bet_ref[...])

    l_iota = lax.broadcasted_iota(jnp.int32, x_ref.shape, 1)
    idx_ref[...] = x_ref[...] * (ns * npos) + seg_ref[...] * npos + l_iota


def _sc_gather(table, idx_w, n_rows, d, chunk, n_chunks):
    mesh = plsc.VectorSubcoreMesh(core_axis_name="c", subcore_axis_name="s")

    @functools.partial(
        pl.kernel,
        out_type=jax.ShapeDtypeStruct((n_rows, d), jnp.float32),
        mesh=mesh,
        scratch_types=[
            pltpu.VMEM((n_chunks, chunk), jnp.int32),
            pltpu.VMEM((chunk, d), jnp.float32),
            pltpu.VMEM((chunk, d), jnp.float32),
            pltpu.SemaphoreType.DMA,
            pltpu.SemaphoreType.DMA,
        ],
    )
    def run(table_hbm, idx_hbm, out_hbm, idx_v, rows0, rows1, gsem0, gsem1):
        wid = lax.axis_index("s") * _NC + lax.axis_index("c")
        base = wid * (n_chunks * chunk)
        pltpu.sync_copy(idx_hbm.at[wid], idx_v)
        bufs = (rows0, rows1)
        gsems = (gsem0, gsem1)

        def gather_start(g, b):
            pltpu.async_copy(table_hbm.at[idx_v.at[g]], bufs[b], gsems[b])

        def gather_wait(g, b):
            pltpu.make_async_copy(table_hbm.at[idx_v.at[g]], bufs[b],
                                  gsems[b]).wait()

        gather_start(0, 0)
        gather_start(1, 1)

        def step(i, carry):
            for b in range(2):
                g = i * 2 + b
                gather_wait(g, b)
                pltpu.sync_copy(bufs[b], out_hbm.at[pl.ds(base + g * chunk,
                                                          chunk)])

                @pl.when(g + 2 < n_chunks)
                def _():
                    gather_start(g + 2, b)
            return carry

        lax.fori_loop(0, n_chunks // 2, step, 0)

    return run(table, idx_w)


def kernel(x, seg, tok_w, seg_w, pos_w, gamma, beta):
    b, l = x.shape
    nv, d = tok_w.shape
    ns = seg_w.shape[0]
    npos = pos_w.shape[0]
    n_rows = b * l

    table, idx = pl.pallas_call(
        _prep_body,
        out_shape=[
            jax.ShapeDtypeStruct((nv * ns * npos, d), jnp.float32),
            jax.ShapeDtypeStruct((b, l), jnp.int32),
        ],
    )(x, seg, tok_w, seg_w, pos_w, gamma.reshape(1, d), beta.reshape(1, d))

    chunk = 32
    n_chunks = n_rows // (_NW * chunk)
    idx_w = idx.T.reshape(_NW, n_chunks, chunk)
    flat = _sc_gather(table, idx_w, n_rows, d, chunk, n_chunks)
    return flat.reshape(l, b, d).transpose(1, 0, 2)

# --- scband reference (transcript-rebuilt; emitter-appended) ---
"""Pipeline reference for scband-embedding-54434415509798 (READ-ONLY COPY).

The authoritative reference and input builder live on the scoring server;
editing this copy changes nothing except your own understanding.
"""

import jax, jax.numpy as jnp
import numpy as np

B, L, D = 4096, 30, 768
VOCAB, NSEG, MAXLEN = 4, 2, 30

def _layernorm(h, gamma, beta, eps=1e-5):
    mu = jnp.mean(h, axis=-1, keepdims=True)
    var = jnp.mean((h - mu) ** 2, axis=-1, keepdims=True)
    return (h - mu) / jnp.sqrt(var + eps) * gamma + beta

def setup_inputs(seed: int = 0) -> dict:
    key = jax.random.key(seed)
    ks = jax.random.split(key, 6)
    x = jax.random.randint(ks[0], (B, L), 0, VOCAB, dtype=jnp.int32)
    seg = jax.random.randint(ks[1], (B, L), 0, NSEG, dtype=jnp.int32)
    tok_w = jax.random.normal(ks[2], (VOCAB, D), dtype=jnp.float32) * 0.02
    seg_w = jax.random.normal(ks[3], (NSEG, D), dtype=jnp.float32) * 0.02
    pos_w = jax.random.normal(ks[4], (MAXLEN, D), dtype=jnp.float32) * 0.02
    gamma = jnp.ones((D,), dtype=jnp.float32)
    beta = jnp.zeros((D,), dtype=jnp.float32)
    return {"x": x, "seg": seg, "tok_w": tok_w, "seg_w": seg_w, "pos_w": pos_w, "gamma": gamma, "beta": beta}

def reference(x, seg, tok_w, seg_w, pos_w, gamma, beta):
    seq_len = x.shape[1]
    pos = jnp.arange(seq_len, dtype=jnp.int32)[None, :]
    pos = jnp.broadcast_to(pos, x.shape)
    emb = jnp.take(tok_w, x, axis=0) + jnp.take(seg_w, seg, axis=0) + jnp.take(pos_w, pos, axis=0)
    return _layernorm(emb, gamma, beta)

if __name__ == "__main__":
    import jax
    _d = setup_inputs()
    print(jax.jit(kernel)(*tuple(_d.values())))

</pallas_src>

<mosaic_0001>
#map = affine_map<(d0, d1) -> (0, 0)>
#map1 = affine_map<(d0, d1) -> (0, 0, 0)>
module attributes {stable_mosaic.version = 14 : i64} {
  func.func @run(%arg0: i32, %arg1: i32, %arg2: memref<240x768xf32, #tpu.memory_space<hbm>>, %arg3: memref<32x120x32xi32, #tpu.memory_space<hbm>>, %arg4: memref<122880x768xf32, #tpu.memory_space<hbm>>, %arg5: memref<120x32xi32, #tpu.memory_space<vmem>>, %arg6: memref<32x768xf32, #tpu.memory_space<vmem>>, %arg7: memref<32x768xf32, #tpu.memory_space<vmem>>, %arg8: memref<!tpu.dma_semaphore, #tpu.memory_space<semaphore_mem>>, %arg9: memref<!tpu.dma_semaphore, #tpu.memory_space<semaphore_mem>>) attributes {dimension_semantics = [#tpu.dimension_semantics<core_parallel>, #tpu.dimension_semantics<subcore_parallel>], iteration_bounds = array<i64: 2, 16>, scalar_prefetch = 0 : i64, scratch_operands = 5 : i64, tpu.core_type = #tpu.core_type<sc_vector_subcore>, window_params = [{transform_indices = #map}, {transform_indices = #map1}, {transform_indices = #map}]} {
    %mul3A = arith.constant 2 : i32
    %mul3A_0 = arith.muli %arg1, %mul3A : i32
    %add3A = arith.addi %mul3A_0, %arg0 : i32
    %mul3A_1 = arith.constant 3840 : i32
    %mul3A_2 = arith.muli %add3A, %mul3A_1 : i32
    "tpu.region"() ({
      %run_scoped3A = tpu.sem_alloc : memref<!tpu.dma_semaphore, #tpu.memory_space<semaphore_mem>>
      %dma_start3A_21 = arith.constant 0 : i32
      %dma_start3A_22 = arith.constant 0 : i32
      %dma_start3A_23 = tpu.memref_slice %arg3[%add3A, %dma_start3A_21, %dma_start3A_22] : memref<32x120x32xi32, #tpu.memory_space<hbm>> -> memref<1x120x32xi32, #tpu.memory_space<hbm>>
      %dma_start3A_24 = tpu.memref_squeeze %dma_start3A_23 : memref<1x120x32xi32, #tpu.memory_space<hbm>> -> memref<120x32xi32, #tpu.memory_space<hbm>>
      %dma_start3A_25 = arith.constant 0 : i32
      %dma_start3A_26 = arith.constant 0 : i32
      %dma_start3A_27 = tpu.memref_slice %arg3[%add3A, %dma_start3A_25, %dma_start3A_26] : memref<32x120x32xi32, #tpu.memory_space<hbm>> -> memref<1x120x32xi32, #tpu.memory_space<hbm>>
      %dma_start3A_28 = tpu.memref_squeeze %dma_start3A_27 : memref<1x120x32xi32, #tpu.memory_space<hbm>> -> memref<120x32xi32, #tpu.memory_space<hbm>>
      tpu.enqueue_dma source(%dma_start3A_28 : memref<120x32xi32, #tpu.memory_space<hbm>>) target(%arg5 : memref<120x32xi32, #tpu.memory_space<vmem>>) target_semaphore(%run_scoped3A : memref<!tpu.dma_semaphore, #tpu.memory_space<semaphore_mem>>)
      %dma_wait3A = arith.constant 0 : i32
      %dma_wait3A_29 = arith.constant 0 : i32
      %dma_wait3A_30 = tpu.memref_slice %arg3[%add3A, %dma_wait3A, %dma_wait3A_29] : memref<32x120x32xi32, #tpu.memory_space<hbm>> -> memref<1x120x32xi32, #tpu.memory_space<hbm>>
      %dma_wait3A_31 = tpu.memref_squeeze %dma_wait3A_30 : memref<1x120x32xi32, #tpu.memory_space<hbm>> -> memref<120x32xi32, #tpu.memory_space<hbm>>
      %dma_wait3A_32 = arith.constant 0 : i32
      %dma_wait3A_33 = arith.constant 0 : i32
      %dma_wait3A_34 = tpu.memref_slice %arg3[%add3A, %dma_wait3A_32, %dma_wait3A_33] : memref<32x120x32xi32, #tpu.memory_space<hbm>> -> memref<1x120x32xi32, #tpu.memory_space<hbm>>
      %dma_wait3A_35 = tpu.memref_squeeze %dma_wait3A_34 : memref<1x120x32xi32, #tpu.memory_space<hbm>> -> memref<120x32xi32, #tpu.memory_space<hbm>>
      tpu.wait_dma2 semaphore(%run_scoped3A : memref<!tpu.dma_semaphore, #tpu.memory_space<semaphore_mem>>) src(%dma_wait3A_35 : memref<120x32xi32, #tpu.memory_space<hbm>>) dst(%arg5 : memref<120x32xi32, #tpu.memory_space<vmem>>)
      tpu.yield
    }) : () -> ()
    %dma_start3A = arith.constant 0 : i32
    %dma_start3A_3 = arith.constant 0 : i32
    %dma_start3A_4 = tpu.memref_slice %arg5[%dma_start3A, %dma_start3A_3] : memref<120x32xi32, #tpu.memory_space<vmem>> -> memref<1x32xi32, #tpu.memory_space<vmem>>
    %dma_start3A_5 = tpu.memref_squeeze %dma_start3A_4 : memref<1x32xi32, #tpu.memory_space<vmem>> -> memref<32xi32, #tpu.memory_space<vmem>>
    %dma_start3A_6 = arith.constant 0 : i32
    %dma_start3A_7 = arith.constant 0 : i32
    %dma_start3A_8 = tpu.memref_slice %arg2[%dma_start3A_6, %dma_start3A_7] : memref<240x768xf32, #tpu.memory_space<hbm>> -> memref<240x768xf32, #tpu.memory_space<hbm>>
    tpu.enqueue_indirect_dma source(%dma_start3A_8 : memref<240x768xf32, #tpu.memory_space<hbm>>) target(%arg6 : memref<32x768xf32, #tpu.memory_space<vmem>>) offsets(%dma_start3A_5 : memref<32xi32, #tpu.memory_space<vmem>>) semaphore(%arg8 : memref<!tpu.dma_semaphore, #tpu.memory_space<semaphore_mem>>)
    %dma_start3A_9 = arith.constant 1 : i32
    %dma_start3A_10 = arith.constant 0 : i32
    %dma_start3A_11 = tpu.memref_slice %arg5[%dma_start3A_9, %dma_start3A_10] : memref<120x32xi32, #tpu.memory_space<vmem>> -> memref<1x32xi32, #tpu.memory_space<vmem>>
    %dma_start3A_12 = tpu.memref_squeeze %dma_start3A_11 : memref<1x32xi32, #tpu.memory_space<vmem>> -> memref<32xi32, #tpu.memory_space<vmem>>
    %dma_start3A_13 = arith.constant 0 : i32
    %dma_start3A_14 = arith.constant 0 : i32
    %dma_start3A_15 = tpu.memref_slice %arg2[%dma_start3A_13, %dma_start3A_14] : memref<240x768xf32, #tpu.memory_space<hbm>> -> memref<240x768xf32, #tpu.memory_space<hbm>>
    tpu.enqueue_indirect_dma source(%dma_start3A_15 : memref<240x768xf32, #tpu.memory_space<hbm>>) target(%arg7 : memref<32x768xf32, #tpu.memory_space<vmem>>) offsets(%dma_start3A_12 : memref<32xi32, #tpu.memory_space<vmem>>) semaphore(%arg9 : memref<!tpu.dma_semaphore, #tpu.memory_space<semaphore_mem>>)
    %scan3A = arith.constant 0 : i32
    %scan3A_16 = arith.constant 0 : i32
    %scan3A_17 = arith.constant 60 : i32
    %scan3A_18 = arith.addi %scan3A_16, %scan3A_17 : i32
    %scan3A_19 = arith.constant 1 : i32
    scf.for %scan3A_21 = %scan3A_16 to %scan3A_18 step %scan3A_19  : i32 {
      %mul3A_22 = arith.constant 2 : i32
      %mul3A_23 = arith.muli %scan3A_21, %mul3A_22 : i32
      %add3A_24 = arith.constant 0 : i32
      %add3A_25 = arith.addi %mul3A_23, %add3A_24 : i32
      %dma_wait3A = arith.constant 0 : i32
      %dma_wait3A_26 = tpu.memref_slice %arg5[%add3A_25, %dma_wait3A] : memref<120x32xi32, #tpu.memory_space<vmem>> -> memref<1x32xi32, #tpu.memory_space<vmem>>
      %dma_wait3A_27 = tpu.memref_squeeze %dma_wait3A_26 : memref<1x32xi32, #tpu.memory_space<vmem>> -> memref<32xi32, #tpu.memory_space<vmem>>
      %dma_wait3A_28 = arith.constant 0 : i32
      %dma_wait3A_29 = arith.constant 0 : i32
      %dma_wait3A_30 = tpu.memref_slice %arg2[%dma_wait3A_28, %dma_wait3A_29] : memref<240x768xf32, #tpu.memory_space<hbm>> -> memref<240x768xf32, #tpu.memory_space<hbm>>
      tpu.wait_indirect_dma semaphore(%arg8 : memref<!tpu.dma_semaphore, #tpu.memory_space<semaphore_mem>>) src(%dma_wait3A_30 : memref<240x768xf32, #tpu.memory_space<hbm>>) dst(%arg6 : memref<32x768xf32, #tpu.memory_space<vmem>>)
      %mul3A_31 = arith.constant 32 : i32
      %mul3A_32 = arith.muli %add3A_25, %mul3A_31 : i32
      %add3A_33 = arith.addi %mul3A_2, %mul3A_32 : i32
      "tpu.region"() ({
        %run_scoped3A = tpu.sem_alloc : memref<!tpu.dma_semaphore, #tpu.memory_space<semaphore_mem>>
        %dma_start3A_58 = arith.constant 0 : i32
        %dma_start3A_59 = tpu.memref_slice %arg4[%add3A_33, %dma_start3A_58] : memref<122880x768xf32, #tpu.memory_space<hbm>> -> memref<32x768xf32, #tpu.memory_space<hbm>>
        %dma_start3A_60 = arith.constant 0 : i32
        %dma_start3A_61 = tpu.memref_slice %arg4[%add3A_33, %dma_start3A_60] : memref<122880x768xf32, #tpu.memory_space<hbm>> -> memref<32x768xf32, #tpu.memory_space<hbm>>
        tpu.enqueue_dma source(%arg6 : memref<32x768xf32, #tpu.memory_space<vmem>>) target(%dma_start3A_61 : memref<32x768xf32, #tpu.memory_space<hbm>>) target_semaphore(%run_scoped3A : memref<!tpu.dma_semaphore, #tpu.memory_space<semaphore_mem>>)
        %dma_wait3A_62 = arith.constant 0 : i32
        %dma_wait3A_63 = tpu.memref_slice %arg4[%add3A_33, %dma_wait3A_62] : memref<122880x768xf32, #tpu.memory_space<hbm>> -> memref<32x768xf32, #tpu.memory_space<hbm>>
        %dma_wait3A_64 = arith.constant 0 : i32
        %dma_wait3A_65 = tpu.memref_slice %arg4[%add3A_33, %dma_wait3A_64] : memref<122880x768xf32, #tpu.memory_space<hbm>> -> memref<32x768xf32, #tpu.memory_space<hbm>>
        tpu.wait_dma2 semaphore(%run_scoped3A : memref<!tpu.dma_semaphore, #tpu.memory_space<semaphore_mem>>) src(%arg6 : memref<32x768xf32, #tpu.memory_space<vmem>>) dst(%dma_wait3A_65 : memref<32x768xf32, #tpu.memory_space<hbm>>)
        tpu.yield
      }) : () -> ()
      %add3A_34 = arith.constant 2 : i32
      %add3A_35 = arith.addi %add3A_25, %add3A_34 : i32
      %lt3A = arith.constant 120 : i32
      %lt3A_36 = arith.cmpi slt, %add3A_35, %lt3A : i32
      %convert_element_type3A = arith.extui %lt3A_36 : i1 to i32
      %cond3A = arith.constant 0 : i32
      %cond3A_37 = arith.cmpi ne, %convert_element_type3A, %cond3A : i32
      scf.if %cond3A_37 {
        %add3A_58 = arith.constant 2 : i32
        %add3A_59 = arith.addi %add3A_25, %add3A_58 : i32
        %dma_start3A_60 = arith.constant 0 : i32
        %dma_start3A_61 = tpu.memref_slice %arg5[%add3A_59, %dma_start3A_60] : memref<120x32xi32, #tpu.memory_space<vmem>> -> memref<1x32xi32, #tpu.memory_space<vmem>>
        %dma_start3A_62 = tpu.memref_squeeze %dma_start3A_61 : memref<1x32xi32, #tpu.memory_space<vmem>> -> memref<32xi32, #tpu.memory_space<vmem>>
        %dma_start3A_63 = arith.constant 0 : i32
        %dma_start3A_64 = arith.constant 0 : i32
        %dma_start3A_65 = tpu.memref_slice %arg2[%dma_start3A_63, %dma_start3A_64] : memref<240x768xf32, #tpu.memory_space<hbm>> -> memref<240x768xf32, #tpu.memory_space<hbm>>
        tpu.enqueue_indirect_dma source(%dma_start3A_65 : memref<240x768xf32, #tpu.memory_space<hbm>>) target(%arg6 : memref<32x768xf32, #tpu.memory_space<vmem>>) offsets(%dma_start3A_62 : memref<32xi32, #tpu.memory_space<vmem>>) semaphore(%arg8 : memref<!tpu.dma_semaphore, #tpu.memory_space<semaphore_mem>>)
      } else {
      }
      %mul3A_38 = arith.constant 2 : i32
      %mul3A_39 = arith.muli %scan3A_21, %mul3A_38 : i32
      %add3A_40 = arith.constant 1 : i32
      %add3A_41 = arith.addi %mul3A_39, %add3A_40 : i32
      %dma_wait3A_42 = arith.constant 0 : i32
      %dma_wait3A_43 = tpu.memref_slice %arg5[%add3A_41, %dma_wait3A_42] : memref<120x32xi32, #tpu.memory_space<vmem>> -> memref<1x32xi32, #tpu.memory_space<vmem>>
      %dma_wait3A_44 = tpu.memref_squeeze %dma_wait3A_43 : memref<1x32xi32, #tpu.memory_space<vmem>> -> memref<32xi32, #tpu.memory_space<vmem>>
      %dma_wait3A_45 = arith.constant 0 : i32
      %dma_wait3A_46 = arith.constant 0 : i32
      %dma_wait3A_47 = tpu.memref_slice %arg2[%dma_wait3A_45, %dma_wait3A_46] : memref<240x768xf32, #tpu.memory_space<hbm>> -> memref<240x768xf32, #tpu.memory_space<hbm>>
      tpu.wait_indirect_dma semaphore(%arg9 : memref<!tpu.dma_semaphore, #tpu.memory_space<semaphore_mem>>) src(%dma_wait3A_47 : memref<240x768xf32, #tpu.memory_space<hbm>>) dst(%arg7 : memref<32x768xf32, #tpu.memory_space<vmem>>)
      %mul3A_48 = arith.constant 32 : i32
      %mul3A_49 = arith.muli %add3A_41, %mul3A_48 : i32
      %add3A_50 = arith.addi %mul3A_2, %mul3A_49 : i32
      "tpu.region"() ({
        %run_scoped3A = tpu.sem_alloc : memref<!tpu.dma_semaphore, #tpu.memory_space<semaphore_mem>>
        %dma_start3A_58 = arith.constant 0 : i32
        %dma_start3A_59 = tpu.memref_slice %arg4[%add3A_50, %dma_start3A_58] : memref<122880x768xf32, #tpu.memory_space<hbm>> -> memref<32x768xf32, #tpu.memory_space<hbm>>
        %dma_start3A_60 = arith.constant 0 : i32
        %dma_start3A_61 = tpu.memref_slice %arg4[%add3A_50, %dma_start3A_60] : memref<122880x768xf32, #tpu.memory_space<hbm>> -> memref<32x768xf32, #tpu.memory_space<hbm>>
        tpu.enqueue_dma source(%arg7 : memref<32x768xf32, #tpu.memory_space<vmem>>) target(%dma_start3A_61 : memref<32x768xf32, #tpu.memory_space<hbm>>) target_semaphore(%run_scoped3A : memref<!tpu.dma_semaphore, #tpu.memory_space<semaphore_mem>>)
        %dma_wait3A_62 = arith.constant 0 : i32
        %dma_wait3A_63 = tpu.memref_slice %arg4[%add3A_50, %dma_wait3A_62] : memref<122880x768xf32, #tpu.memory_space<hbm>> -> memref<32x768xf32, #tpu.memory_space<hbm>>
        %dma_wait3A_64 = arith.constant 0 : i32
        %dma_wait3A_65 = tpu.memref_slice %arg4[%add3A_50, %dma_wait3A_64] : memref<122880x768xf32, #tpu.memory_space<hbm>> -> memref<32x768xf32, #tpu.memory_space<hbm>>
        tpu.wait_dma2 semaphore(%run_scoped3A : memref<!tpu.dma_semaphore, #tpu.memory_space<semaphore_mem>>) src(%arg7 : memref<32x768xf32, #tpu.memory_space<vmem>>) dst(%dma_wait3A_65 : memref<32x768xf32, #tpu.memory_space<hbm>>)
        tpu.yield
      }) : () -> ()
      %add3A_51 = arith.constant 2 : i32
      %add3A_52 = arith.addi %add3A_41, %add3A_51 : i32
      %lt3A_53 = arith.constant 120 : i32
      %lt3A_54 = arith.cmpi slt, %add3A_52, %lt3A_53 : i32
      %convert_element_type3A_55 = arith.extui %lt3A_54 : i1 to i32
      %cond3A_56 = arith.constant 0 : i32
      %cond3A_57 = arith.cmpi ne, %convert_element_type3A_55, %cond3A_56 : i32
      scf.if %cond3A_57 {
        %add3A_58 = arith.constant 2 : i32
        %add3A_59 = arith.addi %add3A_41, %add3A_58 : i32
        %dma_start3A_60 = arith.constant 0 : i32
        %dma_start3A_61 = tpu.memref_slice %arg5[%add3A_59, %dma_start3A_60] : memref<120x32xi32, #tpu.memory_space<vmem>> -> memref<1x32xi32, #tpu.memory_space<vmem>>
        %dma_start3A_62 = tpu.memref_squeeze %dma_start3A_61 : memref<1x32xi32, #tpu.memory_space<vmem>> -> memref<32xi32, #tpu.memory_space<vmem>>
        %dma_start3A_63 = arith.constant 0 : i32
        %dma_start3A_64 = arith.constant 0 : i32
        %dma_start3A_65 = tpu.memref_slice %arg2[%dma_start3A_63, %dma_start3A_64] : memref<240x768xf32, #tpu.memory_space<hbm>> -> memref<240x768xf32, #tpu.memory_space<hbm>>
        tpu.enqueue_indirect_dma source(%dma_start3A_65 : memref<240x768xf32, #tpu.memory_space<hbm>>) target(%arg7 : memref<32x768xf32, #tpu.memory_space<vmem>>) offsets(%dma_start3A_62 : memref<32xi32, #tpu.memory_space<vmem>>) semaphore(%arg9 : memref<!tpu.dma_semaphore, #tpu.memory_space<semaphore_mem>>)
      } else {
      }
    }
    %scan3A_20 = arith.constant 60 : i32
    return
  }
}

module attributes {stable_mosaic.version = 14 : i64} {
  func.func @_prep_body(%arg0: memref<4096x30xi32, #tpu.memory_space<vmem>>, %arg1: memref<4096x30xi32, #tpu.memory_space<vmem>>, %arg2: memref<4x768xf32, #tpu.memory_space<vmem>>, %arg3: memref<2x768xf32, #tpu.memory_space<vmem>>, %arg4: memref<30x768xf32, #tpu.memory_space<vmem>>, %arg5: memref<1x768xf32, #tpu.memory_space<vmem>>, %arg6: memref<1x768xf32, #tpu.memory_space<vmem>>, %arg7: memref<240x768xf32, #tpu.memory_space<vmem>>, %arg8: memref<4096x30xi32, #tpu.memory_space<vmem>>) attributes {dimension_semantics = [], scalar_prefetch = 0 : i64, scratch_operands = 0 : i64, tpu.core_type = #tpu.core_type<tc>} {
    %iota3A = tpu.iota {dimensions = array<i32: 0>} : vector<240x1xi32>
    %jit3A = arith.constant 60 : i32
    %div3A = vector.broadcast %jit3A : i32 to vector<240x1xi32>
    %div3A_0 = arith.divsi %iota3A, %div3A : vector<240x1xi32>
    %sign3A = arith.constant 0 : i32
    %sign3A_1 = vector.broadcast %sign3A : i32 to vector<240x1xi32>
    %sign3A_2 = arith.cmpi sgt, %iota3A, %sign3A_1 : vector<240x1xi32>
    %sign3A_3 = arith.extui %sign3A_2 : vector<240x1xi1> to vector<240x1xi32>
    %sign3A_4 = arith.constant 0 : i32
    %sign3A_5 = vector.broadcast %sign3A_4 : i32 to vector<240x1xi32>
    %sign3A_6 = arith.cmpi slt, %iota3A, %sign3A_5 : vector<240x1xi32>
    %sign3A_7 = arith.extui %sign3A_6 : vector<240x1xi1> to vector<240x1xi32>
    %sign3A_8 = arith.subi %sign3A_3, %sign3A_7 : vector<240x1xi32>
    %sign3A_9 = arith.constant 0 : i32
    %sign3A_10 = arith.cmpi sgt, %jit3A, %sign3A_9 : i32
    %sign3A_11 = arith.extui %sign3A_10 : i1 to i32
    %sign3A_12 = arith.constant 0 : i32
    %sign3A_13 = arith.cmpi slt, %jit3A, %sign3A_12 : i32
    %sign3A_14 = arith.extui %sign3A_13 : i1 to i32
    %sign3A_15 = arith.subi %sign3A_11, %sign3A_14 : i32
    %ne3A = vector.broadcast %sign3A_15 : i32 to vector<240x1xi32>
    %ne3A_16 = arith.cmpi ne, %sign3A_8, %ne3A : vector<240x1xi32>
    %rem3A = vector.broadcast %jit3A : i32 to vector<240x1xi32>
    %rem3A_17 = arith.remsi %iota3A, %rem3A : vector<240x1xi32>
    %ne3A_18 = arith.constant 0 : i32
    %ne3A_19 = vector.broadcast %ne3A_18 : i32 to vector<240x1xi32>
    %ne3A_20 = arith.cmpi ne, %rem3A_17, %ne3A_19 : vector<240x1xi32>
    %and3A = arith.andi %ne3A_16, %ne3A_20 : vector<240x1xi1>
    %sub3A = arith.constant 1 : i32
    %sub3A_21 = vector.broadcast %sub3A : i32 to vector<240x1xi32>
    %sub3A_22 = arith.subi %div3A_0, %sub3A_21 : vector<240x1xi32>
    %select_n3A = arith.select %and3A, %sub3A_22, %div3A_0 : vector<240x1xi1>, vector<240x1xi32>
    %iota3A_23 = tpu.iota {dimensions = array<i32: 1>} : vector<240x4xi32>
    %eq3A = vector.broadcast %select_n3A : vector<240x1xi32> to vector<240x4xi32>
    %eq3A_24 = arith.cmpi eq, %eq3A, %iota3A_23 : vector<240x4xi32>
    %jit3A_25 = arith.constant 30 : i32
    %div3A_26 = vector.broadcast %jit3A_25 : i32 to vector<240x1xi32>
    %div3A_27 = arith.divsi %iota3A, %div3A_26 : vector<240x1xi32>
    %sign3A_28 = arith.constant 0 : i32
    %sign3A_29 = vector.broadcast %sign3A_28 : i32 to vector<240x1xi32>
    %sign3A_30 = arith.cmpi sgt, %iota3A, %sign3A_29 : vector<240x1xi32>
    %sign3A_31 = arith.extui %sign3A_30 : vector<240x1xi1> to vector<240x1xi32>
    %sign3A_32 = arith.constant 0 : i32
    %sign3A_33 = vector.broadcast %sign3A_32 : i32 to vector<240x1xi32>
    %sign3A_34 = arith.cmpi slt, %iota3A, %sign3A_33 : vector<240x1xi32>
    %sign3A_35 = arith.extui %sign3A_34 : vector<240x1xi1> to vector<240x1xi32>
    %sign3A_36 = arith.subi %sign3A_31, %sign3A_35 : vector<240x1xi32>
    %sign3A_37 = arith.constant 0 : i32
    %sign3A_38 = arith.cmpi sgt, %jit3A_25, %sign3A_37 : i32
    %sign3A_39 = arith.extui %sign3A_38 : i1 to i32
    %sign3A_40 = arith.constant 0 : i32
    %sign3A_41 = arith.cmpi slt, %jit3A_25, %sign3A_40 : i32
    %sign3A_42 = arith.extui %sign3A_41 : i1 to i32
    %sign3A_43 = arith.subi %sign3A_39, %sign3A_42 : i32
    %ne3A_44 = vector.broadcast %sign3A_43 : i32 to vector<240x1xi32>
    %ne3A_45 = arith.cmpi ne, %sign3A_36, %ne3A_44 : vector<240x1xi32>
    %rem3A_46 = vector.broadcast %jit3A_25 : i32 to vector<240x1xi32>
    %rem3A_47 = arith.remsi %iota3A, %rem3A_46 : vector<240x1xi32>
    %ne3A_48 = arith.constant 0 : i32
    %ne3A_49 = vector.broadcast %ne3A_48 : i32 to vector<240x1xi32>
    %ne3A_50 = arith.cmpi ne, %rem3A_47, %ne3A_49 : vector<240x1xi32>
    %and3A_51 = arith.andi %ne3A_45, %ne3A_50 : vector<240x1xi1>
    %sub3A_52 = arith.constant 1 : i32
    %sub3A_53 = vector.broadcast %sub3A_52 : i32 to vector<240x1xi32>
    %sub3A_54 = arith.subi %div3A_27, %sub3A_53 : vector<240x1xi32>
    %select_n3A_55 = arith.select %and3A_51, %sub3A_54, %div3A_27 : vector<240x1xi1>, vector<240x1xi32>
    %jit3A_56 = arith.constant 2 : i32
    %eq3A_57 = arith.constant 0 : i32
    %eq3A_58 = arith.cmpi eq, %jit3A_56, %eq3A_57 : i32
    %jit3A_59 = arith.constant 1 : i32
    %select_n3A_60 = arith.select %eq3A_58, %jit3A_59, %jit3A_56 : i32
    %rem3A_61 = vector.broadcast %select_n3A_60 : i32 to vector<240x1xi32>
    %rem3A_62 = arith.remsi %select_n3A_55, %rem3A_61 : vector<240x1xi32>
    %ne3A_63 = arith.constant 0 : i32
    %ne3A_64 = vector.broadcast %ne3A_63 : i32 to vector<240x1xi32>
    %ne3A_65 = arith.cmpi ne, %rem3A_62, %ne3A_64 : vector<240x1xi32>
    %lt3A = arith.constant 0 : i32
    %lt3A_66 = vector.broadcast %lt3A : i32 to vector<240x1xi32>
    %lt3A_67 = arith.cmpi slt, %rem3A_62, %lt3A_66 : vector<240x1xi32>
    %lt3A_68 = arith.constant 0 : i32
    %lt3A_69 = arith.cmpi slt, %select_n3A_60, %lt3A_68 : i32
    %ne3A_70 = vector.broadcast %lt3A_69 : i1 to vector<240x1xi1>
    %ne3A_71 = vector.broadcast %ne3A_70 : vector<240x1xi1> to vector<240x1xi1>
    %ne3A_72 = arith.xori %lt3A_67, %ne3A_71 : vector<240x1xi1>
    %and3A_73 = arith.andi %ne3A_72, %ne3A_65 : vector<240x1xi1>
    %add3A = vector.broadcast %select_n3A_60 : i32 to vector<240x1xi32>
    %add3A_74 = arith.addi %rem3A_62, %add3A : vector<240x1xi32>
    %select_n3A_75 = arith.select %and3A_73, %add3A_74, %rem3A_62 : vector<240x1xi1>, vector<240x1xi32>
    %iota3A_76 = tpu.iota {dimensions = array<i32: 1>} : vector<240x2xi32>
    %eq3A_77 = vector.broadcast %select_n3A_75 : vector<240x1xi32> to vector<240x2xi32>
    %eq3A_78 = arith.cmpi eq, %eq3A_77, %iota3A_76 : vector<240x2xi32>
    %jit3A_79 = arith.constant 30 : i32
    %eq3A_80 = arith.constant 0 : i32
    %eq3A_81 = arith.cmpi eq, %jit3A_79, %eq3A_80 : i32
    %jit3A_82 = arith.constant 1 : i32
    %select_n3A_83 = arith.select %eq3A_81, %jit3A_82, %jit3A_79 : i32
    %rem3A_84 = vector.broadcast %select_n3A_83 : i32 to vector<240x1xi32>
    %rem3A_85 = arith.remsi %iota3A, %rem3A_84 : vector<240x1xi32>
    %ne3A_86 = arith.constant 0 : i32
    %ne3A_87 = vector.broadcast %ne3A_86 : i32 to vector<240x1xi32>
    %ne3A_88 = arith.cmpi ne, %rem3A_85, %ne3A_87 : vector<240x1xi32>
    %lt3A_89 = arith.constant 0 : i32
    %lt3A_90 = vector.broadcast %lt3A_89 : i32 to vector<240x1xi32>
    %lt3A_91 = arith.cmpi slt, %rem3A_85, %lt3A_90 : vector<240x1xi32>
    %lt3A_92 = arith.constant 0 : i32
    %lt3A_93 = arith.cmpi slt, %select_n3A_83, %lt3A_92 : i32
    %ne3A_94 = vector.broadcast %lt3A_93 : i1 to vector<240x1xi1>
    %ne3A_95 = vector.broadcast %ne3A_94 : vector<240x1xi1> to vector<240x1xi1>
    %ne3A_96 = arith.xori %lt3A_91, %ne3A_95 : vector<240x1xi1>
    %and3A_97 = arith.andi %ne3A_96, %ne3A_88 : vector<240x1xi1>
    %add3A_98 = vector.broadcast %select_n3A_83 : i32 to vector<240x1xi32>
    %add3A_99 = arith.addi %rem3A_85, %add3A_98 : vector<240x1xi32>
    %select_n3A_100 = arith.select %and3A_97, %add3A_99, %rem3A_85 : vector<240x1xi1>, vector<240x1xi32>
    %iota3A_101 = tpu.iota {dimensions = array<i32: 1>} : vector<240x30xi32>
    %eq3A_102 = vector.broadcast %select_n3A_100 : vector<240x1xi32> to vector<240x30xi32>
    %eq3A_103 = arith.cmpi eq, %eq3A_102, %iota3A_101 : vector<240x30xi32>
    %convert_element_type3A = arith.extui %eq3A_24 : vector<240x4xi1> to vector<240x4xi32>
    %convert_element_type3A_104 = arith.sitofp %convert_element_type3A : vector<240x4xi32> to vector<240x4xf32>
    %get3A = arith.constant 0 : index
    %get3A_105 = arith.constant 0 : index
    %get3A_106 = vector.load %arg2[%get3A, %get3A_105] : memref<4x768xf32, #tpu.memory_space<vmem>>, vector<4x768xf32>
    %dot_general3A = arith.constant dense<0.000000e+00> : vector<240x768xf32>
    %dot_general3A_107 = tpu.matmul %convert_element_type3A_104, %get3A_106, %dot_general3A {dimension_numbers = #tpu.dot_dimension_numbers<[1], [0], [0], [1], [0, 0, 1, 1], [], []>, precision = #tpu.contract_precision<fp32>, transpose_lhs_hint = false} : vector<240x4xf32>, vector<4x768xf32>, vector<240x768xf32> -> vector<240x768xf32>
    %convert_element_type3A_108 = arith.extui %eq3A_78 : vector<240x2xi1> to vector<240x2xi32>
    %convert_element_type3A_109 = arith.sitofp %convert_element_type3A_108 : vector<240x2xi32> to vector<240x2xf32>
    %get3A_110 = arith.constant 0 : index
    %get3A_111 = arith.constant 0 : index
    %get3A_112 = vector.load %arg3[%get3A_110, %get3A_111] : memref<2x768xf32, #tpu.memory_space<vmem>>, vector<2x768xf32>
    %dot_general3A_113 = arith.constant dense<0.000000e+00> : vector<240x768xf32>
    %dot_general3A_114 = tpu.matmul %convert_element_type3A_109, %get3A_112, %dot_general3A_113 {dimension_numbers = #tpu.dot_dimension_numbers<[1], [0], [0], [1], [0, 0, 1, 1], [], []>, precision = #tpu.contract_precision<fp32>, transpose_lhs_hint = false} : vector<240x2xf32>, vector<2x768xf32>, vector<240x768xf32> -> vector<240x768xf32>
    %add3A_115 = arith.addf %dot_general3A_107, %dot_general3A_114 : vector<240x768xf32>
    %convert_element_type3A_116 = arith.extui %eq3A_103 : vector<240x30xi1> to vector<240x30xi32>
    %convert_element_type3A_117 = arith.sitofp %convert_element_type3A_116 : vector<240x30xi32> to vector<240x30xf32>
    %get3A_118 = arith.constant 0 : index
    %get3A_119 = arith.constant 0 : index
    %get3A_120 = vector.load %arg4[%get3A_118, %get3A_119] : memref<30x768xf32, #tpu.memory_space<vmem>>, vector<30x768xf32>
    %dot_general3A_121 = arith.constant dense<0.000000e+00> : vector<240x768xf32>
    %dot_general3A_122 = tpu.matmul %convert_element_type3A_117, %get3A_120, %dot_general3A_121 {dimension_numbers = #tpu.dot_dimension_numbers<[1], [0], [0], [1], [0, 0, 1, 1], [], []>, precision = #tpu.contract_precision<fp32>, transpose_lhs_hint = false} : vector<240x30xf32>, vector<30x768xf32>, vector<240x768xf32> -> vector<240x768xf32>
    %add3A_123 = arith.addf %add3A_115, %dot_general3A_122 : vector<240x768xf32>
    %reduce_sum3A = arith.constant dense<0.000000e+00> : vector<240xf32>
    %reduce_sum3A_124 = vector.multi_reduction <add>, %add3A_123, %reduce_sum3A [1] : vector<240x768xf32> to vector<240xf32>
    %broadcast_in_dim3A = vector.shape_cast %reduce_sum3A_124 : vector<240xf32> to vector<240x1xf32>
    %div3A_125 = arith.constant 7.680000e+02 : f32
    %div3A_126 = vector.broadcast %div3A_125 : f32 to vector<240x1xf32>
    %div3A_127 = arith.divf %broadcast_in_dim3A, %div3A_126 : vector<240x1xf32>
    %sub3A_128 = vector.broadcast %div3A_127 : vector<240x1xf32> to vector<240x768xf32>
    %sub3A_129 = arith.subf %add3A_123, %sub3A_128 : vector<240x768xf32>
    %integer_pow3A = arith.mulf %sub3A_129, %sub3A_129 : vector<240x768xf32>
    %reduce_sum3A_130 = arith.constant dense<0.000000e+00> : vector<240xf32>
    %reduce_sum3A_131 = vector.multi_reduction <add>, %integer_pow3A, %reduce_sum3A_130 [1] : vector<240x768xf32> to vector<240xf32>
    %broadcast_in_dim3A_132 = vector.shape_cast %reduce_sum3A_131 : vector<240xf32> to vector<240x1xf32>
    %div3A_133 = arith.constant 7.680000e+02 : f32
    %div3A_134 = vector.broadcast %div3A_133 : f32 to vector<240x1xf32>
    %div3A_135 = arith.divf %broadcast_in_dim3A_132, %div3A_134 : vector<240x1xf32>
    %sub3A_136 = vector.broadcast %div3A_127 : vector<240x1xf32> to vector<240x768xf32>
    %sub3A_137 = arith.subf %add3A_123, %sub3A_136 : vector<240x768xf32>
    %add3A_138 = arith.constant 9.99999974E-6 : f32
    %add3A_139 = vector.broadcast %add3A_138 : f32 to vector<240x1xf32>
    %add3A_140 = arith.addf %div3A_135, %add3A_139 : vector<240x1xf32>
    %rsqrt3A = math.rsqrt %add3A_140 : vector<240x1xf32>
    %mul3A = vector.broadcast %rsqrt3A : vector<240x1xf32> to vector<240x768xf32>
    %mul3A_141 = arith.mulf %sub3A_137, %mul3A : vector<240x768xf32>
    %get3A_142 = arith.constant 0 : index
    %get3A_143 = arith.constant 0 : index
    %get3A_144 = vector.load %arg5[%get3A_142, %get3A_143] : memref<1x768xf32, #tpu.memory_space<vmem>>, vector<1x768xf32>
    %mul3A_145 = vector.broadcast %get3A_144 : vector<1x768xf32> to vector<240x768xf32>
    %mul3A_146 = arith.mulf %mul3A_141, %mul3A_145 : vector<240x768xf32>
    %get3A_147 = arith.constant 0 : index
    %get3A_148 = arith.constant 0 : index
    %get3A_149 = vector.load %arg6[%get3A_147, %get3A_148] : memref<1x768xf32, #tpu.memory_space<vmem>>, vector<1x768xf32>
    %add3A_150 = vector.broadcast %get3A_149 : vector<1x768xf32> to vector<240x768xf32>
    %add3A_151 = arith.addf %mul3A_146, %add3A_150 : vector<240x768xf32>
    %swap3A = arith.constant 0 : index
    %swap3A_152 = arith.constant 0 : index
    %swap3A_153 = vector.load %arg7[%swap3A, %swap3A_152] : memref<240x768xf32, #tpu.memory_space<vmem>>, vector<240x768xf32>
    tpu.vector_store %arg7[%swap3A, %swap3A_152], %add3A_151 {strides = array<i32>} : memref<240x768xf32, #tpu.memory_space<vmem>>, vector<240x768xf32>,
    %iota3A_154 = tpu.iota {dimensions = array<i32: 1>} : vector<4096x30xi32>
    %get3A_155 = arith.constant 0 : index
    %get3A_156 = arith.constant 0 : index
    %get3A_157 = vector.load %arg0[%get3A_155, %get3A_156] : memref<4096x30xi32, #tpu.memory_space<vmem>>, vector<4096x30xi32>
    %mul3A_158 = arith.constant 60 : i32
    %mul3A_159 = vector.broadcast %mul3A_158 : i32 to vector<4096x30xi32>
    %mul3A_160 = arith.muli %get3A_157, %mul3A_159 : vector<4096x30xi32>
    %get3A_161 = arith.constant 0 : index
    %get3A_162 = arith.constant 0 : index
    %get3A_163 = vector.load %arg1[%get3A_161, %get3A_162] : memref<4096x30xi32, #tpu.memory_space<vmem>>, vector<4096x30xi32>
    %mul3A_164 = arith.constant 30 : i32
    %mul3A_165 = vector.broadcast %mul3A_164 : i32 to vector<4096x30xi32>
    %mul3A_166 = arith.muli %get3A_163, %mul3A_165 : vector<4096x30xi32>
    %add3A_167 = arith.addi %mul3A_160, %mul3A_166 : vector<4096x30xi32>
    %add3A_168 = arith.addi %add3A_167, %iota3A_154 : vector<4096x30xi32>
    %swap3A_169 = arith.constant 0 : index
    %swap3A_170 = arith.constant 0 : index
    %swap3A_171 = vector.load %arg8[%swap3A_169, %swap3A_170] : memref<4096x30xi32, #tpu.memory_space<vmem>>, vector<4096x30xi32>
    tpu.vector_store %arg8[%swap3A_169, %swap3A_170], %add3A_168 {strides = array<i32>} : memref<4096x30xi32, #tpu.memory_space<vmem>>, vector<4096x30xi32>,
    return
  }
}

</mosaic_0001>

<sc_bundles>
// kernel: kernel.4.cloned.1.call-start
scs
__scs_entry_jumppad:
0x0: {  	(pc) =	sbr.rel $0x88, $3  }
0x1: {  	(tag) =	ssettag $0x0;
	lr =	simm.s32 $0x1  }
0x2: {  	[smem:$0x3F9A] =	sst lr;
	_ =	strace $0xD0000000  }
0x3: {  	_ = 	snop  }
0x4: {  	_ = 	snop  }
0x5: {  	_ = 	snop  }
0x6: {  	_ = 	snop  }
0x7: {  	_ = 	snop  }
__scs_overlays_trampoline_lowered:
0x8: {  	[smem:$0x3FA9] =	sst s0  }
0x9: {  	[smem:$0x3FAA] =	sst s1  }
0xa: {  	[smem:$0x3FAB] =	sst s2  }
0xb: {  	[smem:$0x3FAC] =	sst s3  }
0xc: {  	[smem:$0x3FAD] =	sst s4  }
0xd: {  	[smem:$0x3FAE] =	sst s5  }
0xe: {  	[smem:$0x3FAF] =	sst s6  }
0xf: {  	[smem:$0x3FB0] =	sst s7  }
0x10: {  	[smem:$0x3FB1] =	sst s8  }
0x11: {  	[smem:$0x3FB2] =	sst s9;
	s0 =	simm.s32 @!p0 $0x0  }
0x12: {  	s1 =	sld [smem:$0x3F98];
	s0 =	simm.s32 @p0 $0x1  }
0x13: {  	[smem:$0x3FB3] =	sst s0;
	s0 =	simm.s32 @!p1 $0x0  }
0x14: {  	s2 =	sld [smem:$0x3F97];
	s0 =	simm.s32 @p1 $0x1  }
0x15: {  	[smem:$0x3FB4] =	sst s0;
	s0 =	simm.s32 @!p2 $0x0  }
0x16: {  	s3 =	sld [smem:$0x3FDB];
	s0 =	simm.s32 @p2 $0x1  }
0x17: {  	s4 =	simm.s32 $0x1BF5;
	[smem:$0x3FB6] =	sst s0  }
0x18: {  	s0 =	sld [smem:$0x3F99];
	_ =	swait.ge [sflag:s4], $0x0  }
0x19: {  	s7 =	sld [smem:$0x3F9A]  }
0x1a: {  	s8 =	sadd.s32 $0xFFFFE003, lr  }
0x1b: {  	s9 =	sadd.s32 $0xFFFFFEF7, lr;
	s5 =	simm.s32 $0xFFFFFFFF;
	p2 =	slt.u32 s8, $0xFFFFF086  }
0x1c: {  	p1 =	slt.u32 s9, $0xF7A;
	s5 =	simm.s32 @!p2 $0x0  }
0x1d: {  	s5 =	simm.s32 @p1 $0x1;
	p0 =	seq.s32 s7, s2  }
0x1e: {  	s7 =	smul.u32 @!p0 $0xF7A, s2;
	p2 =	seq.s32 @!p0 s5, $0x0  }
0x1f: {  	s9 =	smul.u32 $0xF7A, s1;
	s8 =	simm.s32 @!p0 $0x1BF5;
	p2 =	por !p2, p0  }
0x20: {  	[sflag:s8] =	ssyncset.s32 @!p0 $0xFFFFF086;
	s6 =	sadd.s32 @!p0 s3, s7;
	s7 =	simm.s32 @!p0 $0x108  }
0x21: {  	s3 =	sadd.s32 s3, s9;
	s6 =	sadd.s32 @!p0 $0x88, s6;
	s7 =	simm.s32 @p2 $0x1082  }
0x22: {  	[simem:s7], [sflag:s8] =	dma.local @!p0 [hbm:s6], $0xF7A  }
0x23: {  	s9 =	sor.u32 $0xD0000000, s2;
	s6 =	simm.s32 $0x108;
	_ =	swait.ge @!p0 [sflag:s8], $0x0  }
0x24: {  	s3 =	sadd.s32 $0x88, s3;
	s6 =	simm.s32 @!p1 $0x1082;
	[sflag:s4] =	ssyncset.s32 $0xFFFFF086  }
0x25: {  	[simem:s6], [sflag:s4] =	dma.local [hbm:s3], $0xF7A  }
0x26: {  	[smem:$0x3F9A] =	sst s1;
	(tag) =	ssettag s2;
	_ =	strace s9  }
0x27: {  	s1 =	sld [smem:$0x3FAA]  }
0x28: {  	s2 =	sld [smem:$0x3FAB]  }
0x29: {  	s4 =	sld [smem:$0x3FAD]  }
0x2a: {  	p0 =	seq.s32 s5, $0x0;
	s5 =	sld [smem:$0x3FAE]  }
0x2b: {  	s6 =	sld [smem:$0x3FAF]  }
0x2c: {  	s7 =	sld [smem:$0x3FB0]  }
0x2d: {  	s3 =	simm.s32 $0x108;
	s8 =	sld [smem:$0x3FB1]  }
0x2e: {  	s3 =	simm.s32 @!p0 $0x1082;
	s9 =	sld [smem:$0x3FB2]  }
0x2f: {  	lr =	sadd.s32 s0, s3;
	s0 =	sld [smem:$0x3FA9]  }
0x30: {  	s3 =	sld [smem:$0x3FAC]  }
0x31: {  	[smem:$0x3FB5] =	sst s10  }
0x32: {  	s10 =	sld [smem:$0x3FB3];
	_ =	sdelay $0x3  }
0x33: {  	p0 =	seq.s32 s10, $0x1;
	s10 =	sld [smem:$0x3FB5];
	_ =	sdelay $0x3  }
0x34: {  	[smem:$0x3FB5] =	sst s10  }
0x35: {  	s10 =	sld [smem:$0x3FB4];
	_ =	sdelay $0x3  }
0x36: {  	p1 =	seq.s32 s10, $0x1;
	s10 =	sld [smem:$0x3FB5];
	_ =	sdelay $0x3  }
0x37: {  	[smem:$0x3FB5] =	sst s10  }
0x38: {  	s10 =	sld [smem:$0x3FB6]  }
0x39: {  	_ = 	snop;
	(pc) =	sbr.ind lr, $3  }
0x3a: {  	_ = 	snop  }
0x3b: {  	_ = 	snop  }
0x3c: {  	p2 =	seq.s32 s10, $0x1;
	s10 =	sld [smem:$0x3FB5]  }
0x3d: {  	_ =	shalt  }
0x3e: {  	_ =	shalt  }
0x3f: {  	_ =	shalt  }
0x40: {  	_ =	shalt  }
0x41: {  	_ =	shalt  }
0x42: {  	_ =	shalt  }
0x43: {  	_ =	shalt  }
0x44: {  	_ =	shalt  }
0x45: {  	_ =	shalt  }
0x46: {  	_ =	shalt  }
0x47: {  	_ =	shalt  }
0x48: {  	_ =	shalt  }
0x49: {  	_ =	shalt  }
0x4a: {  	_ =	shalt  }
0x4b: {  	_ =	shalt  }
0x4c: {  	_ =	shalt  }
0x4d: {  	_ =	shalt  }
0x4e: {  	_ =	shalt  }
0x4f: {  	_ =	shalt  }
0x50: {  	_ =	shalt  }
0x51: {  	_ =	shalt  }
0x52: {  	_ =	shalt  }
0x53: {  	_ =	shalt  }
0x54: {  	_ =	shalt  }
0x55: {  	_ =	shalt  }
0x56: {  	_ =	shalt  }
0x57: {  	_ =	shalt  }
0x58: {  	_ =	shalt  }
0x59: {  	_ =	shalt  }
0x5a: {  	_ =	shalt  }
0x5b: {  	_ =	shalt  }
0x5c: {  	_ =	shalt  }
0x5d: {  	_ =	shalt  }
0x5e: {  	_ =	shalt  }
0x5f: {  	_ =	shalt  }
0x60: {  	_ =	shalt  }
0x61: {  	_ =	shalt  }
0x62: {  	_ =	shalt  }
0x63: {  	_ =	shalt  }
0x64: {  	_ =	shalt  }
0x65: {  	_ =	shalt  }
0x66: {  	_ =	shalt  }
0x67: {  	_ =	shalt  }
0x68: {  	_ =	shalt  }
0x69: {  	_ =	shalt  }
0x6a: {  	_ =	shalt  }
0x6b: {  	_ =	shalt  }
0x6c: {  	_ =	shalt  }
0x6d: {  	_ =	shalt  }
0x6e: {  	_ =	shalt  }
0x6f: {  	_ =	shalt  }
0x70: {  	_ =	shalt  }
0x71: {  	_ =	shalt  }
0x72: {  	_ =	shalt  }
0x73: {  	_ =	shalt  }
0x74: {  	_ =	shalt  }
0x75: {  	_ =	shalt  }
0x76: {  	_ =	shalt  }
0x77: {  	_ =	shalt  }
0x78: {  	_ =	shalt  }
0x79: {  	_ =	shalt  }
0x7a: {  	_ =	shalt  }
0x7b: {  	_ =	shalt  }
0x7c: {  	_ =	shalt  }
0x7d: {  	_ =	shalt  }
0x7e: {  	_ =	shalt  }
0x7f: {  	_ =	shalt  }
0x80: {  	_ =	shalt  }
0x81: {  	_ =	shalt  }
0x82: {  	_ =	shalt  }
0x83: {  	_ =	shalt  }
0x84: {  	_ =	shalt  }
0x85: {  	_ =	shalt  }
0x86: {  	_ =	shalt  }
0x87: {  	_ =	shalt  }
.Lfunc_end0:
.L_simem_size_0:
called_computation_lowered:
.L_overlay_start_0:
0x88: {  	s2 =	sld [smem:$0x3FD9]  }
0x89: {  	s3 =	sld [smem:$0x3FFE];
	_ =	sdelay $0x1  }
0x8a: {  	s1 =	srdreg.scid  }
0x8b: {  	s0 =	sand.u32 $0x1, s1  }
0x8c: {  	s17 =	sshll.u32 s0, $0xA;
	s2 =	sadd.s32 s3, s2  }
0x8d: {  	s2 =	sadd.s32 s2, s17  }
0x8e: {  	[smem:$0x3FC1] =	sst s2  }
0x8f: {  	_ = 	snop  }
0x90: {  	s2 =	sld [smem:$0x3FD0];
	(tm) =	ssettm $0x1  }
0x91: {  	s18 =	sld [smem:$0x3FFB];
	_ =	sdelay $0x3  }
0x92: {  	_ =	strace s18  }
0x93: {  	s3 =	sld [smem:$0x3FFC];
	_ =	sdelay $0x3  }
0x94: {  	_ =	strace s3  }
0x95: {  	s3 =	sld [smem:$0x3FFD];
	_ =	sdelay $0x3  }
0x96: {  	_ =	strace s3  }
0x97: {  	_ =	strace $0x8FFFFFFF  }
0x98: {  	s19 =	sld [smem:$0x3FDB];
	_ =	sdelay $0x1  }
0x99: {  	s4 =	simm.s32 $_scs_section_size  }
0x9a: {  	s5 =	simm.s32 $_size__tile_overlayer_lowered;
	s6 =	simm.s32 $_tile_overlayer_lowered  }
0x9b: {  	s22 =	simm.s32 $0x1BFF;
	s21 =	sshll.u32 s6, $0x1;
	s3 =	sadd.s32 s4, s19  }
0x9c: {  	s7 =	simm.s32 $0x0;
	s20 =	sshll.u32 s5, $0x1;
	s5 =	sadd.s32 s21, s3  }
0x9d: {  	[timem:s7], [sflag:s22] =	dma.local [hbm:s5], s20  }
0x9e: {  	_ =	swait.ge [sflag:s22], s20  }
0x9f: {  	s4 =	ssub.s32 $0x0, s20;
	[sflag:s22] =	ssyncset.done $0x0  }
0xa0: {  	[sflag:s22] =	ssyncadd.s32 s4;
	_ =	sdelay $0x1  }
0xa1: {  	s23 =	simm.s32 $0x1B8B  }
0xa2: {  	_ =	swait.ge [sflag:s23], $0x1  }
0xa3: {  	[sflag:s23] =	ssyncset.done $0x0  }
0xa4: {  	s25 =	simm.s32 $0x1B8E;
	s24 =	sld [smem:$0x3FFE];
	[sflag:s23] =	ssyncadd.s32 $0xFFFFFFFF  }
0xa5: {  	s26 =	simm.s32 $execute0_lowered;
	[smem:$0x3FD2] =	sst s25  }
0xa6: {  	s5 =	sshll.u32 s26, $0x1;
	_ =	strace $0x80000046;
	[dreg:$0x1] =	wrdreg $0xFFFFFFFF  }
0xa7: {  	s28 =	simm.s32 $_size_execute0_lowered;
	s3 =	sadd.s32 s3, s5;
	[dreg:$0x0] =	wrdreg $0x0  }
0xa8: {  	s5 =	sshll.u32 s28, $0x1;
	[dreg:$0x2] =	wrdreg s3  }
0xa9: {  	[dreg:$0x3] =	wrdreg s5  }
0xaa: {  	[dreg:$0x4] =	wrdreg $0xC0  }
0xab: {  	_ =	task [dreg:s7], $0x5FFFF  }
0xac: {  	[dreg:$0x1] =	wrdreg $0xFFFFFFFF  }
0xad: {  	[dreg:$0x0] =	wrdreg $0x60  }
0xae: {  	[dreg:$0x2] =	wrdreg s24  }
0xaf: {  	[dreg:$0x3] =	wrdreg s2  }
0xb0: {  	[dreg:$0x4] =	wrdreg $0x9  }
0xb1: {  	_ =	task.clear_ibuf [dreg:s7], $0x5FFFF;
	_ =	strace $0x90000046  }
0xb2: {  	s29 =	simm.s32 $0x9;
	_ =	strace $0x80000048  }
0xb3: {  	_ =	swait.ge [sflag:s29], $0x1  }
0xb4: {  	[sflag:s29] =	ssyncadd.s32 $0xFFFFFFFF  }
0xb5: {  	_ =	strace $0x90000048  }
0xb6: {  	_ =	sfence  }
0xb7: {  	s30 =	sld [smem:$0x0];
	_ =	sdelay $0x2  }
0xb8: {  	s31 =	sshll.u32 s1, $0xD;
	s1 =	sshrl.u32 s1, $0x2  }
0xb9: {  	s3 =	sand.u32 $0x4000, s31;
	s1 =	sadd.s32 s1, s30  }
0xba: {  	s0 =	sor.u32 s3, s0;
	s1 =	sshll.u32 s1, $0x11  }
0xbb: {  	s0 =	sor.u32 s1, s0  }
0xbc: {  	s0 =	sadd.s32 $0x8F2B, s0  }
0xbd: {  	[sflag:s0] =	ssyncadd.remote.s32 $0x1  }
0xbe: {  	_ =	sfence.sel $0xFFFF  }
0xbf: {  	[dreg:$0x0] =	wrdreg $0xFFFFFFFF;
	(pc) =	sbr.abs _section_cstart, $3  }
0xc0: {  	[dreg:$0x1] =	wrdreg $0xFFFFFFFF  }
0xc1: {  	_ =	task.clear_ibuf [dreg:s7], $0x2FFFF;
	_ =	strace $0x9FFFFFFF  }
0xc2: {  	(tm) =	ssettm $0x7FFFFFFF  }
0xc3: {  	_ =	shalt  }
tec
execute0_lowered:
.L_overlay_start_1:
0x0: {  	(tag) =	ssettag $0x1  }
0x1: {  	s0 =	srdreg.scid;
	s1 =	rddreg [dreg:$0x0]  }
0x2: {  	s2 =	stileid.u32;
	s9 =	rddreg [dreg:$0x1];
	s11 =	simm.s32 $0x3C00  }
0x3: {  	s21 =	simm.s32 $0x8C00;
	s22 =	simm.s32 $0x9400;
	s23 =	simm.s32 $0x9C00  }
0x4: {  	s24 =	simm.s32 $0xA400;
	s25 =	simm.s32 $0xAC00;
	s26 =	simm.s32 $0xB400  }
0x5: {  	s28 =	simm.s32 $0xBC00;
	s29 =	simm.s32 $0xC400;
	s30 =	simm.s32 $0xCC00  }
0x6: {  	s31 =	simm.s32 $0xD400;
	s12 =	simm.s32 $0xEC00;
	s13 =	simm.s32 $0xF400  }
0x7: {  	s14 =	simm.s32 $0x1;
	s15 =	simm.s32 $0x2;
	s16 =	simm.s32 $0x0  }
0x8: {  	s0 =	sand.u32 $0x1, s0;
	s3 =	smul.u32 $0x1E00, s2;
	s4 =	sshll.u32 s2, $0x1  }
0x9: {  	s2 =	simm.s32 $0x0;
	s5 =	smul.u32 $0xF00, s0;
	s4 =	sor.u32 s0, s4  }
0xa: {  	[smem:$0x7FF] =	sst s2;
	s0 =	ssub.s32 $0x2, s0;
	s4 =	smul.u32 $0x780, s4  }
0xb: {  	_ =	strace $0x80000047;
	s7 =	sshrl.u32 s0, $0x1;
	s5 =	sadd.s32 s5, s3  }
0xc: {  	s3 =	sadd.s32 $0x1000, s1;
	s0 =	ssub.s32 s0, s7;
	s6 =	sor.u32 $0x20, s5  }
.Ltmp0:
0xd: {  	s4 =	sadd.s32 s4, s1;
	s5 =	sshrl.u32 s5, $0x3;
	(pc) =	sbr.rel .LBB2_1-.Ltmp0, $4  }
0xe: {  	s7 =	smax.u32 s0, $0x1;
	s6 =	sshrl.u32 s6, $0x3;
	s10 =	smul.u32 $0x300, s5  }
0xf: {  	v2 =	vlaneseq.u32;
	s0 =	simm.s32 $0xE400;
	s4 =	sadd.s32 $0x6A00, s4;
	s8 =	smul.u32 $0x300, s6  }
0x10: {  	vm0 =	vmmov $0xffff;
	v1 =	vshrl.u32 v2, $0x3;
	s5 =	sadd.s32 $0x1100, s1;
	s6 =	sadd.s32 $0x1200, s1;
	s1 =	simm.s32 $0xDC00  }
0x11: {  	v0 =	vand.u32 $0x7, v2;
	v2 =	vor.u32 $0x8, v2;
	v1 =	vmul.u32 $0x8, v1;
	s8 =	sadd.s32 s8, s9;
	s9 =	sadd.s32 s10, s9;
	s10 =	simm.s32 $0x3  }
.LBB2_4:
0x12: {  	s16 =	sadd.s32 $0x1, s16  }
0x13: {  	p0 =	sne.s32 s16, s7  }
.Ltmp1:
0x14: {  	_ = 	snop;
	(pc) =	sbr.rel @!p0 .LBB2_5-.Ltmp1, $1  }
0x15: {  	_ =	sdelay $0x3  }
.LBB2_1:
0x16: {  	[tilespmem:s2], [sflag:$0x3] =	stream.linear.gather [hbm4b:s4+s2], $0x3C00, $0x38;
	[tilespmem:$0xFC00] =	vst v63  }
0x17: {  	_ =	swait.ge [sflag:s10], $0x3C00  }
0x18: {  	[sflag:s10] =	ssyncset.done $0x0  }
0x19: {  	[sflag:s10] =	ssyncadd.s32 $0xFFFFC400  }
0x1a: {  	v3 =	vld [tilespmem:$0x0];
	_ =	sdelay $0x4  }
0x1b: {  	v4 =	vshrl.u32 v3, $0x3  }
0x1c: {  	v4 =	vmul.u32 $0x30, v4  }
0x1d: {  	v3 =	vand.u32 $0x7, v3  }
0x1e: {  	v3 =	vor.u32 v3, v4  }
0x1f: {  	v4 =	vperm.xlane v3, v0;
	_ =	sdelay $0x1  }
0x20: {  	v4 =	vadd.s32 v1, v4;
	_ =	sdelay $0x3  }
0x21: {  	v3 =	vperm.xlane v3, v2  }
0x22: {  	[tilespmem:s11], [sflag:$0x1] =	stream.indirect_vreg.gather [hbm4b:s3+s2], $0x80, v4, vm0, $0xb8;
	[tilespmem:$0xFC00] =	vst v63  }
0x23: {  	s17 =	simm.s32 $0x4400;
	v3 =	vadd.s32 v1, v3  }
0x24: {  	[tilespmem:s17], [sflag:$0x1] =	stream.indirect_vreg.gather [hbm4b:s5+s2], $0x80, v4, vm0, $0xb8;
	[tilespmem:$0xFC00] =	vst v63  }
0x25: {  	s19 =	simm.s32 $0x4C00  }
0x26: {  	[tilespmem:s19], [sflag:$0x1] =	stream.indirect_vreg.gather [hbm4b:s6+s2], $0x80, v4, vm0, $0xb8;
	[tilespmem:$0xFC00] =	vst v63  }
0x27: {  	s20 =	simm.s32 $0x5400  }
0x28: {  	[tilespmem:s20], [sflag:$0x1] =	stream.indirect_vreg.gather [hbm4b:s3+s2], $0x80, v3, vm0, $0xb8;
	[tilespmem:$0xFC00] =	vst v63  }
0x29: {  	s18 =	simm.s32 $0x5C00  }
0x2a: {  	[tilespmem:s18], [sflag:$0x1] =	stream.indirect_vreg.gather [hbm4b:s5+s2], $0x80, v3, vm0, $0xb8;
	[tilespmem:$0xFC00] =	vst v63  }
0x2b: {  	s19 =	simm.s32 $0x6400  }
0x2c: {  	[tilespmem:s19], [sflag:$0x1] =	stream.indirect_vreg.gather [hbm4b:s6+s2], $0x80, v3, vm0, $0xb8;
	[tilespmem:$0xFC00] =	vst v63  }
0x2d: {  	v3 =	vld [tilespmem:$0x10];
	_ =	sdelay $0x4  }
0x2e: {  	v61 =	vshrl.u32 v3, $0x3  }
0x2f: {  	v4 =	vmul.u32 $0x30, v61  }
0x30: {  	v3 =	vand.u32 $0x7, v3  }
0x31: {  	v3 =	vor.u32 v3, v4  }
0x32: {  	v4 =	vperm.xlane v3, v0;
	_ =	sdelay $0x1  }
0x33: {  	v4 =	vadd.s32 v1, v4;
	_ =	sdelay $0x3  }
0x34: {  	s20 =	simm.s32 $0x6C00;
	v3 =	vperm.xlane v3, v2  }
0x35: {  	[tilespmem:s20], [sflag:$0x1] =	stream.indirect_vreg.gather [hbm4b:s3+s2], $0x80, v4, vm0, $0xb8;
	[tilespmem:$0xFC00] =	vst v63  }
0x36: {  	s18 =	simm.s32 $0x7400;
	v3 =	vadd.s32 v1, v3  }
0x37: {  	[tilespmem:s18], [sflag:$0x1] =	stream.indirect_vreg.gather [hbm4b:s5+s2], $0x80, v4, vm0, $0xb8;
	[tilespmem:$0xFC00] =	vst v63  }
0x38: {  	s19 =	simm.s32 $0x7C00  }
0x39: {  	[tilespmem:s19], [sflag:$0x1] =	stream.indirect_vreg.gather [hbm4b:s6+s2], $0x80, v4, vm0, $0xb8;
	[tilespmem:$0xFC00] =	vst v63  }
0x3a: {  	s20 =	simm.s32 $0x8400  }
0x3b: {  	[tilespmem:s20], [sflag:$0x1] =	stream.indirect_vreg.gather [hbm4b:s3+s2], $0x80, v3, vm0, $0xb8;
	[tilespmem:$0xFC00] =	vst v63  }
0x3c: {  	_ = 	snop  }
0x3d: {  	[tilespmem:s21], [sflag:$0x1] =	stream.indirect_vreg.gather [hbm4b:s5+s2], $0x80, v3, vm0, $0xb8;
	[tilespmem:$0xFC00] =	vst v63  }
0x3e: {  	_ = 	snop  }
0x3f: {  	[tilespmem:s22], [sflag:$0x1] =	stream.indirect_vreg.gather [hbm4b:s6+s2], $0x80, v3, vm0, $0xb8;
	[tilespmem:$0xFC00] =	vst v63  }
0x40: {  	v3 =	vld [tilespmem:$0x80];
	_ =	sdelay $0x4  }
0x41: {  	v62 =	vshrl.u32 v3, $0x3  }
0x42: {  	v4 =	vmul.u32 $0x30, v62  }
0x43: {  	v3 =	vand.u32 $0x7, v3  }
0x44: {  	v3 =	vor.u32 v3, v4  }
0x45: {  	v4 =	vperm.xlane v3, v0;
	_ =	sdelay $0x1  }
0x46: {  	v4 =	vadd.s32 v1, v4;
	_ =	sdelay $0x3  }
0x47: {  	v3 =	vperm.xlane v3, v2  }
0x48: {  	[tilespmem:s23], [sflag:$0x2] =	stream.indirect_vreg.gather [hbm4b:s3+s2], $0x80, v4, vm0, $0xb8;
	[tilespmem:$0xFC00] =	vst v63  }
0x49: {  	v3 =	vadd.s32 v1, v3  }
0x4a: {  	[tilespmem:s24], [sflag:$0x2] =	stream.indirect_vreg.gather [hbm4b:s5+s2], $0x80, v4, vm0, $0xb8;
	[tilespmem:$0xFC00] =	vst v63  }
0x4b: {  	_ = 	snop  }
0x4c: {  	[tilespmem:s25], [sflag:$0x2] =	stream.indirect_vreg.gather [hbm4b:s6+s2], $0x80, v4, vm0, $0xb8;
	[tilespmem:$0xFC00] =	vst v63  }
0x4d: {  	_ = 	snop  }
0x4e: {  	[tilespmem:s26], [sflag:$0x2] =	stream.indirect_vreg.gather [hbm4b:s3+s2], $0x80, v3, vm0, $0xb8;
	[tilespmem:$0xFC00] =	vst v63  }
0x4f: {  	_ = 	snop  }
0x50: {  	[tilespmem:s28], [sflag:$0x2] =	stream.indirect_vreg.gather [hbm4b:s5+s2], $0x80, v3, vm0, $0xb8;
	[tilespmem:$0xFC00] =	vst v63  }
0x51: {  	_ = 	snop  }
0x52: {  	[tilespmem:s29], [sflag:$0x2] =	stream.indirect_vreg.gather [hbm4b:s6+s2], $0x80, v3, vm0, $0xb8;
	[tilespmem:$0xFC00] =	vst v63  }
0x53: {  	v3 =	vld [tilespmem:$0x90];
	_ =	sdelay $0x4  }
0x54: {  	v63 =	vshrl.u32 v3, $0x3  }
0x55: {  	v4 =	vmul.u32 $0x30, v63  }
0x56: {  	v3 =	vand.u32 $0x7, v3  }
0x57: {  	v3 =	vor.u32 v3, v4  }
0x58: {  	v4 =	vperm.xlane v3, v0;
	_ =	sdelay $0x1  }
0x59: {  	v4 =	vadd.s32 v1, v4;
	_ =	sdelay $0x3  }
0x5a: {  	v3 =	vperm.xlane v3, v2  }
0x5b: {  	[tilespmem:s30], [sflag:$0x2] =	stream.indirect_vreg.gather [hbm4b:s3+s2], $0x80, v4, vm0, $0xb8;
	[tilespmem:$0xFC00] =	vst v63  }
0x5c: {  	v3 =	vadd.s32 v1, v3  }
0x5d: {  	[tilespmem:s31], [sflag:$0x2] =	stream.indirect_vreg.gather [hbm4b:s5+s2], $0x80, v4, vm0, $0xb8;
	[tilespmem:$0xFC00] =	vst v63  }
0x5e: {  	_ = 	snop  }
0x5f: {  	[tilespmem:s1], [sflag:$0x2] =	stream.indirect_vreg.gather [hbm4b:s6+s2], $0x80, v4, vm0, $0xb8;
	[tilespmem:$0xFC00] =	vst v63  }
0x60: {  	_ = 	snop  }
0x61: {  	[tilespmem:s0], [sflag:$0x2] =	stream.indirect_vreg.gather [hbm4b:s3+s2], $0x80, v3, vm0, $0xb8;
	[tilespmem:$0xFC00] =	vst v63  }
0x62: {  	_ = 	snop  }
0x63: {  	[tilespmem:s12], [sflag:$0x2] =	stream.indirect_vreg.gather [hbm4b:s5+s2], $0x80, v3, vm0, $0xb8;
	[tilespmem:$0xFC00] =	vst v63  }
0x64: {  	s17 =	simm.s32 $0x190;
	s18 =	simm.s32 $0x0  }
0x65: {  	[tilespmem:s13], [sflag:$0x2] =	stream.indirect_vreg.gather [hbm4b:s6+s2], $0x80, v3, vm0, $0xb8;
	[tilespmem:$0xFC00] =	vst v63  }
.LBB2_2:
0x66: {  	_ =	swait.ge [sflag:s14], $0x6000  }
0x67: {  	[sflag:s14] =	ssyncset.done $0x0  }
0x68: {  	s19 =	sadd.s32 s18, s9;
	[sflag:s14] =	ssyncadd.s32 $0xFFFFA000  }
0x69: {  	[hbm4b:s19+s2] =	stream.linear.scatter [tilespmem:s11], [sflag:$0x3], $0x6000, $0x38;
	[tilespmem:$0xFC00] =	vst v63  }
0x6a: {  	_ =	swait.ge [sflag:s10], $0x6000  }
0x6b: {  	[sflag:s10] =	ssyncset.done $0x0  }
0x6c: {  	p0 =	seq.s32 s18, $0x58800;
	[sflag:s10] =	ssyncadd.s32 $0xFFFFA000  }
0x6d: {  	v3 =	vld @!p0 [tilespmem:s17+$0xFFFFFF70];
	_ =	sdelay $0x4  }
0x6e: {  	v4 =	vshrl.u32 @!p0 v3, $0x3  }
0x6f: {  	v4 =	vmul.u32 @!p0 $0x30, v4  }
0x70: {  	v5 =	vlaneseq.u32 @!p0;
	v3 =	vand.u32 @!p0 $0x7, v3  }
0x71: {  	v6 =	vshrl.u32 @!p0 v5, $0x3;
	v3 =	vor.u32 @!p0 v3, v4;
	v4 =	vand.u32 @!p0 $0x7, v5  }
0x72: {  	v6 =	vmul.u32 @!p0 $0x8, v6;
	v7 =	vperm.xlane @!p0 v3, v4;
	_ =	sdelay $0x1  }
0x73: {  	v7 =	vadd.s32 @!p0 v6, v7;
	_ =	sdelay $0x2  }
0x74: {  	v5 =	vor.u32 @!p0 $0x8, v5  }
0x75: {  	vm1 =	vmmov @!p0 $0xffff;
	s20 =	simm.s32 @!p0 $0x3C00;
	s19 =	simm.s32 @!p0 $0x0;
	v3 =	vperm.xlane @!p0 v3, v5  }
0x76: {  	[tilespmem:s20], [sflag:$0x1] =	stream.indirect_vreg.gather @!p0 [hbm4b:s3+s19], $0x80, v7, vm1, $0xb8;
	[tilespmem:$0xFC00] =	vst v63  }
0x77: {  	v3 =	vadd.s32 @!p0 v6, v3;
	s20 =	simm.s32 @!p0 $0x4400  }
0x78: {  	[tilespmem:s20], [sflag:$0x1] =	stream.indirect_vreg.gather @!p0 [hbm4b:s5+s19], $0x80, v7, vm1, $0xb8;
	[tilespmem:$0xFC00] =	vst v63  }
0x79: {  	s20 =	simm.s32 @!p0 $0x4C00  }
0x7a: {  	[tilespmem:s20], [sflag:$0x1] =	stream.indirect_vreg.gather @!p0 [hbm4b:s6+s19], $0x80, v7, vm1, $0xb8;
	[tilespmem:$0xFC00] =	vst v63  }
0x7b: {  	s20 =	simm.s32 @!p0 $0x5400  }
0x7c: {  	[tilespmem:s20], [sflag:$0x1] =	stream.indirect_vreg.gather @!p0 [hbm4b:s3+s19], $0x80, v3, vm1, $0xb8;
	[tilespmem:$0xFC00] =	vst v63  }
0x7d: {  	s20 =	simm.s32 @!p0 $0x5C00  }
0x7e: {  	[tilespmem:s20], [sflag:$0x1] =	stream.indirect_vreg.gather @!p0 [hbm4b:s5+s19], $0x80, v3, vm1, $0xb8;
	[tilespmem:$0xFC00] =	vst v63  }
0x7f: {  	s20 =	simm.s32 @!p0 $0x6400  }
0x80: {  	[tilespmem:s20], [sflag:$0x1] =	stream.indirect_vreg.gather @!p0 [hbm4b:s6+s19], $0x80, v3, vm1, $0xb8;
	[tilespmem:$0xFC00] =	vst v63  }
0x81: {  	v3 =	vld @!p0 [tilespmem:s17+$0xFFFFFF80];
	_ =	sdelay $0x4  }
0x82: {  	v7 =	vshrl.u32 @!p0 v3, $0x3  }
0x83: {  	v7 =	vmul.u32 @!p0 $0x30, v7  }
0x84: {  	v3 =	vand.u32 @!p0 $0x7, v3  }
0x85: {  	v3 =	vor.u32 @!p0 v3, v7  }
0x86: {  	v4 =	vperm.xlane @!p0 v3, v4;
	_ =	sdelay $0x1  }
0x87: {  	v4 =	vadd.s32 @!p0 v6, v4;
	_ =	sdelay $0x3  }
0x88: {  	s20 =	simm.s32 @!p0 $0x6C00;
	v3 =	vperm.xlane @!p0 v3, v5  }
0x89: {  	[tilespmem:s20], [sflag:$0x1] =	stream.indirect_vreg.gather @!p0 [hbm4b:s3+s19], $0x80, v4, vm1, $0xb8;
	[tilespmem:$0xFC00] =	vst v63  }
0x8a: {  	v3 =	vadd.s32 @!p0 v6, v3;
	s20 =	simm.s32 @!p0 $0x7400  }
0x8b: {  	[tilespmem:s20], [sflag:$0x1] =	stream.indirect_vreg.gather @!p0 [hbm4b:s5+s19], $0x80, v4, vm1, $0xb8;
	[tilespmem:$0xFC00] =	vst v63  }
0x8c: {  	s20 =	simm.s32 @!p0 $0x7C00  }
0x8d: {  	[tilespmem:s20], [sflag:$0x1] =	stream.indirect_vreg.gather @!p0 [hbm4b:s6+s19], $0x80, v4, vm1, $0xb8;
	[tilespmem:$0xFC00] =	vst v63  }
0x8e: {  	s20 =	simm.s32 @!p0 $0x8400  }
0x8f: {  	[tilespmem:s20], [sflag:$0x1] =	stream.indirect_vreg.gather @!p0 [hbm4b:s3+s19], $0x80, v3, vm1, $0xb8;
	[tilespmem:$0xFC00] =	vst v63  }
0x90: {  	s20 =	simm.s32 @!p0 $0x8C00  }
0x91: {  	[tilespmem:s20], [sflag:$0x1] =	stream.indirect_vreg.gather @!p0 [hbm4b:s5+s19], $0x80, v3, vm1, $0xb8;
	[tilespmem:$0xFC00] =	vst v63  }
0x92: {  	s20 =	simm.s32 @!p0 $0x9400  }
0x93: {  	[tilespmem:s20], [sflag:$0x1] =	stream.indirect_vreg.gather @!p0 [hbm4b:s6+s19], $0x80, v3, vm1, $0xb8;
	[tilespmem:$0xFC00] =	vst v63  }
0x94: {  	_ =	swait.ge [sflag:s15], $0x6000  }
0x95: {  	[sflag:s15] =	ssyncset.done $0x0  }
.Ltmp2:
0x96: {  	s20 =	sadd.s32 s18, s8;
	[sflag:s15] =	ssyncadd.s32 $0xFFFFA000;
	(pc) =	sbr.rel @p0 .LBB2_4-.Ltmp2, $4  }
0x97: {  	[hbm4b:s20+s2] =	stream.linear.scatter [tilespmem:s23], [sflag:$0x3], $0x6000, $0x38;
	[tilespmem:$0xFC00] =	vst v63  }
0x98: {  	_ =	swait.ge [sflag:s10], $0x6000  }
0x99: {  	[sflag:s10] =	ssyncset.done $0x0  }
0x9a: {  	[sflag:s10] =	ssyncadd.s32 $0xFFFFA000  }
0x9b: {  	v3 =	vld [tilespmem:s17+$0xFFFFFFF0];
	_ =	sdelay $0x4  }
0x9c: {  	v4 =	vshrl.u32 v3, $0x3  }
0x9d: {  	v4 =	vmul.u32 $0x30, v4  }
0x9e: {  	v3 =	vand.u32 $0x7, v3  }
0x9f: {  	v3 =	vor.u32 v3, v4  }
0xa0: {  	v4 =	vperm.xlane v3, v0;
	_ =	sdelay $0x1  }
0xa1: {  	v4 =	vadd.s32 v1, v4;
	_ =	sdelay $0x3  }
0xa2: {  	v3 =	vperm.xlane v3, v2  }
0xa3: {  	[tilespmem:s23], [sflag:$0x2] =	stream.indirect_vreg.gather [hbm4b:s3+s2], $0x80, v4, vm0, $0xb8;
	[tilespmem:$0xFC00] =	vst v63  }
0xa4: {  	v3 =	vadd.s32 v1, v3  }
0xa5: {  	[tilespmem:s24], [sflag:$0x2] =	stream.indirect_vreg.gather [hbm4b:s5+s2], $0x80, v4, vm0, $0xb8;
	[tilespmem:$0xFC00] =	vst v63  }
0xa6: {  	_ = 	snop  }
0xa7: {  	[tilespmem:s25], [sflag:$0x2] =	stream.indirect_vreg.gather [hbm4b:s6+s2], $0x80, v4, vm0, $0xb8;
	[tilespmem:$0xFC00] =	vst v63  }
0xa8: {  	_ = 	snop  }
0xa9: {  	[tilespmem:s26], [sflag:$0x2] =	stream.indirect_vreg.gather [hbm4b:s3+s2], $0x80, v3, vm0, $0xb8;
	[tilespmem:$0xFC00] =	vst v63  }
0xaa: {  	_ = 	snop  }
0xab: {  	[tilespmem:s28], [sflag:$0x2] =	stream.indirect_vreg.gather [hbm4b:s5+s2], $0x80, v3, vm0, $0xb8;
	[tilespmem:$0xFC00] =	vst v63  }
0xac: {  	_ = 	snop  }
0xad: {  	[tilespmem:s29], [sflag:$0x2] =	stream.indirect_vreg.gather [hbm4b:s6+s2], $0x80, v3, vm0, $0xb8;
	[tilespmem:$0xFC00] =	vst v63  }
0xae: {  	v3 =	vld [tilespmem:s17+$0x0];
	_ =	sdelay $0x4  }
0xaf: {  	v63 =	vshrl.u32 v3, $0x3  }
0xb0: {  	v4 =	vmul.u32 $0x30, v63  }
0xb1: {  	v3 =	vand.u32 $0x7, v3  }
0xb2: {  	v3 =	vor.u32 v3, v4  }
0xb3: {  	v4 =	vperm.xlane v3, v0;
	_ =	sdelay $0x1  }
0xb4: {  	v4 =	vadd.s32 v1, v4;
	_ =	sdelay $0x3  }
0xb5: {  	v3 =	vperm.xlane v3, v2  }
0xb6: {  	[tilespmem:s30], [sflag:$0x2] =	stream.indirect_vreg.gather [hbm4b:s3+s2], $0x80, v4, vm0, $0xb8;
	[tilespmem:$0xFC00] =	vst v63  }
0xb7: {  	v3 =	vadd.s32 v1, v3  }
0xb8: {  	[tilespmem:s31], [sflag:$0x2] =	stream.indirect_vreg.gather [hbm4b:s5+s2], $0x80, v4, vm0, $0xb8;
	[tilespmem:$0xFC00] =	vst v63  }
0xb9: {  	_ = 	snop  }
0xba: {  	[tilespmem:s1], [sflag:$0x2] =	stream.indirect_vreg.gather [hbm4b:s6+s2], $0x80, v4, vm0, $0xb8;
	[tilespmem:$0xFC00] =	vst v63  }
0xbb: {  	_ = 	snop  }
0xbc: {  	[tilespmem:s0], [sflag:$0x2] =	stream.indirect_vreg.gather [hbm4b:s3+s2], $0x80, v3, vm0, $0xb8;
	[tilespmem:$0xFC00] =	vst v63  }
.Ltmp3:
0xbd: {  	_ = 	snop;
	(pc) =	sbr.rel .LBB2_2-.Ltmp3, $4  }
0xbe: {  	_ = 	snop  }
0xbf: {  	[tilespmem:s12], [sflag:$0x2] =	stream.indirect_vreg.gather [hbm4b:s5+s2], $0x80, v3, vm0, $0xb8;
	[tilespmem:$0xFC00] =	vst v63  }
0xc0: {  	s18 =	sadd.s32 $0x1800, s18;
	s17 =	sadd.s32 $0x100, s17  }
0xc1: {  	[tilespmem:s13], [sflag:$0x2] =	stream.indirect_vreg.gather [hbm4b:s6+s2], $0x80, v3, vm0, $0xb8;
	[tilespmem:$0xFC00] =	vst v63  }
.LBB2_5:
0xc2: {  	_ =	sfence.sel $0x180000  }
0xc3: {  	[bflag:$0x0] =	sbarrier.arrive $0xFFFF  }
0xc4: {  	_ =	strace $0x90000047  }
0xc5: {  	s0 =	stileid.u32;
	[bflag:$0x2] =	sbarrier.arrive $0xFFFF  }
0xc6: {  	p0 =	sne.s32 s0, $0x0;
	s0 =	rddreg [dreg:$0x2]  }
0xc7: {  	s0 =	sadd.s32 @!p0 $0x100000, s0  }
0xc8: {  	[sflag:s0] =	ssyncadd.tile.s32 @!p0 $0x1;
	_ =	shalt  }
.Lfunc_end2:
_tile_overlayer_lowered:
.L_overlay_start_2:
0xc9: {  	(tag) =	ssettag $0x2  }
0xca: {  	s0 =	rddreg [dreg:$0x0];
	s2 =	stileid.u32  }
0xcb: {  	s1 =	rddreg [dreg:$0x1];
	p0 =	sne.s32 s2, $0x0  }
0xcc: {  	s3 =	rddreg [dreg:$0x2];
	[bflag:$0x3] =	sbarrier.arrive $0xFFFF;
	s2 =	simm.s32 @!p0 $0x1C03  }
0xcd: {  	[timem:s3], [sflag:s2] =	dma.local @!p0 [hbm:s0], s1  }
0xce: {  	s0 =	simm.s32 @!p0 $0x3  }
0xcf: {  	_ =	swait.ge @!p0 [sflag:s0], s1  }
0xd0: {  	s1 =	ssub.s32 @!p0 $0x0, s1;
	[sflag:s0] =	ssyncset.done @!p0 $0x0  }
0xd1: {  	[sflag:s0] =	ssyncadd.s32 @!p0 s1  }
0xd2: {  	[bflag:$0x3] =	sbarrier.arrive $0xFFFF  }
0xd3: {  	_ =	shalt  }

</sc_bundles>
